<compile_context>
chip_gen: v7x
topology: tpu7x:2x2x1
jax: 0.10.2.dev20260603
libtpu: 0.0.44.dev20260713+nightly
codegen_flags: <defaults>
</compile_context>

<pallas_src>
import functools
import jax
import jax.numpy as jnp
from jax import lax
from jax.experimental import pallas as pl
from jax.experimental.pallas import tpu as pltpu, tpu_sc as plsc

BATCH = 1024
L = 200
N = 16
D = 8
EMB = N * D
T = BATCH * L

NC = 2
NS = 16
NW = NC * NS
TPW = T // NW

C = 640
K = C // 128
NCHUNK = TPW // C


def _sc_expand_kernel(w_hbm, x_hbm, perm_hbm, scale_hbm, out_hbm,
                      idx_v, rows_v, out_v, perm_v, scale_v, sem):
    wid = lax.axis_index("s") * NC + lax.axis_index("c")

    pltpu.sync_copy(perm_hbm, perm_v)
    pltpu.sync_copy(scale_hbm, scale_v)
    perm_regs = [perm_v[pl.ds(16 * g, 16)] for g in range(D)]
    scale_regs = [scale_v[pl.ds(16 * g, 16)] for g in range(D)]

    tokw0 = wid * TPW

    def chunk_body(ci, carry):
        tok0 = tokw0 + ci * C
        pltpu.sync_copy(x_hbm.at[pl.ds(tok0, C)], idx_v)
        copies = [
            pltpu.async_copy(w_hbm.at[idx_v.at[pl.ds(j * 128, 128)]],
                             rows_v.at[pl.ds(j * 128, 128)], sem)
            for j in range(K)
        ]
        for c in copies:
            c.wait()

        dnums = lax.GatherDimensionNumbers(
            offset_dims=(), collapsed_slice_dims=(0,), start_index_map=(0,))

        def tok_body(t, tc):
            emb = rows_v[t]
            for g in range(D):
                vals = lax.gather(
                    emb, perm_regs[g][:, None], dnums, slice_sizes=(1,),
                    mode=lax.GatherScatterMode.PROMISE_IN_BOUNDS)
                out_v[t, pl.ds(16 * g, 16)] = vals * scale_regs[g]
            return tc

        lax.fori_loop(0, C, tok_body, 0, unroll=2)
        pltpu.sync_copy(out_v, out_hbm.at[pl.ds(tok0, C)])
        return carry

    lax.fori_loop(0, NCHUNK, chunk_body, 0)


@jax.jit
def _run(w, x1, perm_idx, scale):
    mesh = plsc.VectorSubcoreMesh(core_axis_name="c", subcore_axis_name="s")
    kfn = functools.partial(
        pl.kernel,
        out_type=jax.ShapeDtypeStruct((T, EMB), jnp.float32),
        mesh=mesh,
        scratch_types=[
            pltpu.VMEM((C,), jnp.int32),
            pltpu.VMEM((C, N), jnp.float32),
            pltpu.VMEM((C, EMB), jnp.float32),
            pltpu.VMEM((EMB,), jnp.int32),
            pltpu.VMEM((EMB,), jnp.float32),
            pltpu.SemaphoreType.DMA,
        ],
        compiler_params=pltpu.CompilerParams(use_tc_tiling_on_sc=False),
    )(_sc_expand_kernel)
    return kfn(w, x1, perm_idx, scale)


def kernel(x, W, B, p):
    p = p.astype(jnp.int32)
    perm_idx = p // D
    scale = B[0, p % D].astype(jnp.float32)
    x1 = x.astype(jnp.int32).reshape(T)
    out = _run(W, x1, perm_idx, scale)
    return out.reshape(BATCH, L, EMB)

# --- scband reference (transcript-rebuilt; emitter-appended) ---
"""Pipeline reference for scband-kn-embedding-34514357190890 (READ-ONLY COPY).

The authoritative reference and input builder live on the scoring server;
editing this copy changes nothing except your own understanding.
"""

import jax, jax.numpy as jnp
import numpy as np

VOCAB = 1000000
EMB = 128
D = 8
N = EMB // D  # 16 columns actually stored in the embedding table
BATCH = 1024
L = 200


def setup_inputs(seed: int = 0) -> dict:
    key = jax.random.key(seed)
    k1, k2, k3, k4 = jax.random.split(key, 4)
    x = jax.random.randint(k1, (BATCH, L), 0, VOCAB)
    W = jax.random.normal(k2, (VOCAB, N), dtype=jnp.float32)  # nn.Embedding weight
    B = jax.random.normal(k3, (1, D), dtype=jnp.float32)      # self.B parameter
    p = jax.random.permutation(k4, EMB)                       # self.p buffer (randperm)
    return {"x": x, "W": W, "B": B, "p": p}


def reference(x, W, B, p):
    # x = self.embedding(x) -> gather rows of the table
    emb = jnp.take(W, x, axis=0)  # [BATCH, L, N]
    # torch.kron(emb[B,L,N], B[1,D]) -> [B, L, N*D]; element [b,l,i*D+j] = emb[b,l,i] * B[0,j]
    kron = (emb[..., :, None] * B[0][None, None, None, :]).reshape(emb.shape[0], emb.shape[1], N * D)
    # use_p=True: permute last dim with buffer p
    return kron[:, :, p]

if __name__ == "__main__":
    import jax
    _d = setup_inputs()
    print(jax.jit(kernel)(*tuple(_d.values())))

</pallas_src>

<mosaic_0001>
#map = affine_map<(d0, d1) -> (0, 0)>
#map1 = affine_map<(d0, d1) -> (0)>
module attributes {stable_mosaic.version = 14 : i64} {
  func.func @_sc_expand_kernel(%arg0: i32, %arg1: i32, %arg2: memref<1000000x16xf32, #tpu.memory_space<hbm>>, %arg3: memref<204800xi32, #tpu.memory_space<hbm>>, %arg4: memref<128xi32, #tpu.memory_space<hbm>>, %arg5: memref<128xf32, #tpu.memory_space<hbm>>, %arg6: memref<204800x128xf32, #tpu.memory_space<hbm>>, %arg7: memref<640xi32, #tpu.memory_space<vmem>>, %arg8: memref<640x16xf32, #tpu.memory_space<vmem>>, %arg9: memref<640x128xf32, #tpu.memory_space<vmem>>, %arg10: memref<128xi32, #tpu.memory_space<vmem>>, %arg11: memref<128xf32, #tpu.memory_space<vmem>>, %arg12: memref<!tpu.dma_semaphore, #tpu.memory_space<semaphore_mem>>) attributes {dimension_semantics = [#tpu.dimension_semantics<core_parallel>, #tpu.dimension_semantics<subcore_parallel>], iteration_bounds = array<i64: 2, 16>, scalar_prefetch = 0 : i64, scratch_operands = 6 : i64, tpu.core_type = #tpu.core_type<sc_vector_subcore>, window_params = [{transform_indices = #map}, {transform_indices = #map1}, {transform_indices = #map1}, {transform_indices = #map1}, {transform_indices = #map}]} {
    %mul3A = arith.constant 2 : i32
    %mul3A_0 = arith.muli %arg1, %mul3A : i32
    %add3A = arith.addi %mul3A_0, %arg0 : i32
    "tpu.region"() ({
      %run_scoped3A = tpu.sem_alloc : memref<!tpu.dma_semaphore, #tpu.memory_space<semaphore_mem>>
      tpu.enqueue_dma source(%arg4 : memref<128xi32, #tpu.memory_space<hbm>>) target(%arg10 : memref<128xi32, #tpu.memory_space<vmem>>) target_semaphore(%run_scoped3A : memref<!tpu.dma_semaphore, #tpu.memory_space<semaphore_mem>>)
      tpu.wait_dma2 semaphore(%run_scoped3A : memref<!tpu.dma_semaphore, #tpu.memory_space<semaphore_mem>>) src(%arg4 : memref<128xi32, #tpu.memory_space<hbm>>) dst(%arg10 : memref<128xi32, #tpu.memory_space<vmem>>)
      tpu.yield
    }) : () -> ()
    "tpu.region"() ({
      %run_scoped3A = tpu.sem_alloc : memref<!tpu.dma_semaphore, #tpu.memory_space<semaphore_mem>>
      tpu.enqueue_dma source(%arg5 : memref<128xf32, #tpu.memory_space<hbm>>) target(%arg11 : memref<128xf32, #tpu.memory_space<vmem>>) target_semaphore(%run_scoped3A : memref<!tpu.dma_semaphore, #tpu.memory_space<semaphore_mem>>)
      tpu.wait_dma2 semaphore(%run_scoped3A : memref<!tpu.dma_semaphore, #tpu.memory_space<semaphore_mem>>) src(%arg5 : memref<128xf32, #tpu.memory_space<hbm>>) dst(%arg11 : memref<128xf32, #tpu.memory_space<vmem>>)
      tpu.yield
    }) : () -> ()
    %get3A = arith.constant 0 : index
    %get3A_1 = tpu.vector_load %arg10[%get3A] {strides = array<i32>} : memref<128xi32, #tpu.memory_space<vmem>>, vector<16xi32>,
    %get3A_2 = vector.shape_cast %get3A_1 : vector<16xi32> to vector<16xi32>
    %get3A_3 = arith.constant 16 : index
    %get3A_4 = tpu.vector_load %arg10[%get3A_3] {strides = array<i32>} : memref<128xi32, #tpu.memory_space<vmem>>, vector<16xi32>,
    %get3A_5 = vector.shape_cast %get3A_4 : vector<16xi32> to vector<16xi32>
    %get3A_6 = arith.constant 32 : index
    %get3A_7 = tpu.vector_load %arg10[%get3A_6] {strides = array<i32>} : memref<128xi32, #tpu.memory_space<vmem>>, vector<16xi32>,
    %get3A_8 = vector.shape_cast %get3A_7 : vector<16xi32> to vector<16xi32>
    %get3A_9 = arith.constant 48 : index
    %get3A_10 = tpu.vector_load %arg10[%get3A_9] {strides = array<i32>} : memref<128xi32, #tpu.memory_space<vmem>>, vector<16xi32>,
    %get3A_11 = vector.shape_cast %get3A_10 : vector<16xi32> to vector<16xi32>
    %get3A_12 = arith.constant 64 : index
    %get3A_13 = tpu.vector_load %arg10[%get3A_12] {strides = array<i32>} : memref<128xi32, #tpu.memory_space<vmem>>, vector<16xi32>,
    %get3A_14 = vector.shape_cast %get3A_13 : vector<16xi32> to vector<16xi32>
    %get3A_15 = arith.constant 80 : index
    %get3A_16 = tpu.vector_load %arg10[%get3A_15] {strides = array<i32>} : memref<128xi32, #tpu.memory_space<vmem>>, vector<16xi32>,
    %get3A_17 = vector.shape_cast %get3A_16 : vector<16xi32> to vector<16xi32>
    %get3A_18 = arith.constant 96 : index
    %get3A_19 = tpu.vector_load %arg10[%get3A_18] {strides = array<i32>} : memref<128xi32, #tpu.memory_space<vmem>>, vector<16xi32>,
    %get3A_20 = vector.shape_cast %get3A_19 : vector<16xi32> to vector<16xi32>
    %get3A_21 = arith.constant 112 : index
    %get3A_22 = tpu.vector_load %arg10[%get3A_21] {strides = array<i32>} : memref<128xi32, #tpu.memory_space<vmem>>, vector<16xi32>,
    %get3A_23 = vector.shape_cast %get3A_22 : vector<16xi32> to vector<16xi32>
    %get3A_24 = arith.constant 0 : index
    %get3A_25 = tpu.vector_load %arg11[%get3A_24] {strides = array<i32>} : memref<128xf32, #tpu.memory_space<vmem>>, vector<16xf32>,
    %get3A_26 = vector.shape_cast %get3A_25 : vector<16xf32> to vector<16xf32>
    %get3A_27 = arith.constant 16 : index
    %get3A_28 = tpu.vector_load %arg11[%get3A_27] {strides = array<i32>} : memref<128xf32, #tpu.memory_space<vmem>>, vector<16xf32>,
    %get3A_29 = vector.shape_cast %get3A_28 : vector<16xf32> to vector<16xf32>
    %get3A_30 = arith.constant 32 : index
    %get3A_31 = tpu.vector_load %arg11[%get3A_30] {strides = array<i32>} : memref<128xf32, #tpu.memory_space<vmem>>, vector<16xf32>,
    %get3A_32 = vector.shape_cast %get3A_31 : vector<16xf32> to vector<16xf32>
    %get3A_33 = arith.constant 48 : index
    %get3A_34 = tpu.vector_load %arg11[%get3A_33] {strides = array<i32>} : memref<128xf32, #tpu.memory_space<vmem>>, vector<16xf32>,
    %get3A_35 = vector.shape_cast %get3A_34 : vector<16xf32> to vector<16xf32>
    %get3A_36 = arith.constant 64 : index
    %get3A_37 = tpu.vector_load %arg11[%get3A_36] {strides = array<i32>} : memref<128xf32, #tpu.memory_space<vmem>>, vector<16xf32>,
    %get3A_38 = vector.shape_cast %get3A_37 : vector<16xf32> to vector<16xf32>
    %get3A_39 = arith.constant 80 : index
    %get3A_40 = tpu.vector_load %arg11[%get3A_39] {strides = array<i32>} : memref<128xf32, #tpu.memory_space<vmem>>, vector<16xf32>,
    %get3A_41 = vector.shape_cast %get3A_40 : vector<16xf32> to vector<16xf32>
    %get3A_42 = arith.constant 96 : index
    %get3A_43 = tpu.vector_load %arg11[%get3A_42] {strides = array<i32>} : memref<128xf32, #tpu.memory_space<vmem>>, vector<16xf32>,
    %get3A_44 = vector.shape_cast %get3A_43 : vector<16xf32> to vector<16xf32>
    %get3A_45 = arith.constant 112 : index
    %get3A_46 = tpu.vector_load %arg11[%get3A_45] {strides = array<i32>} : memref<128xf32, #tpu.memory_space<vmem>>, vector<16xf32>,
    %get3A_47 = vector.shape_cast %get3A_46 : vector<16xf32> to vector<16xf32>
    %mul3A_48 = arith.constant 6400 : i32
    %mul3A_49 = arith.muli %add3A, %mul3A_48 : i32
    %scan3A = arith.constant 0 : i32
    %scan3A_50 = arith.constant 0 : i32
    %scan3A_51 = arith.constant 10 : i32
    %scan3A_52 = arith.addi %scan3A_50, %scan3A_51 : i32
    %scan3A_53 = arith.constant 1 : i32
    scf.for %scan3A_55 = %scan3A_50 to %scan3A_52 step %scan3A_53  : i32 {
      %mul3A_56 = arith.constant 640 : i32
      %mul3A_57 = arith.muli %scan3A_55, %mul3A_56 : i32
      %add3A_58 = arith.addi %mul3A_49, %mul3A_57 : i32
      "tpu.region"() ({
        %run_scoped3A = tpu.sem_alloc : memref<!tpu.dma_semaphore, #tpu.memory_space<semaphore_mem>>
        %dma_start3A_143 = tpu.memref_slice %arg3[%add3A_58] : memref<204800xi32, #tpu.memory_space<hbm>> -> memref<640xi32, #tpu.memory_space<hbm>>
        %dma_start3A_144 = tpu.memref_slice %arg3[%add3A_58] : memref<204800xi32, #tpu.memory_space<hbm>> -> memref<640xi32, #tpu.memory_space<hbm>>
        tpu.enqueue_dma source(%dma_start3A_144 : memref<640xi32, #tpu.memory_space<hbm>>) target(%arg7 : memref<640xi32, #tpu.memory_space<vmem>>) target_semaphore(%run_scoped3A : memref<!tpu.dma_semaphore, #tpu.memory_space<semaphore_mem>>)
        %dma_wait3A_145 = tpu.memref_slice %arg3[%add3A_58] : memref<204800xi32, #tpu.memory_space<hbm>> -> memref<640xi32, #tpu.memory_space<hbm>>
        %dma_wait3A_146 = tpu.memref_slice %arg3[%add3A_58] : memref<204800xi32, #tpu.memory_space<hbm>> -> memref<640xi32, #tpu.memory_space<hbm>>
        tpu.wait_dma2 semaphore(%run_scoped3A : memref<!tpu.dma_semaphore, #tpu.memory_space<semaphore_mem>>) src(%dma_wait3A_146 : memref<640xi32, #tpu.memory_space<hbm>>) dst(%arg7 : memref<640xi32, #tpu.memory_space<vmem>>)
        tpu.yield
      }) : () -> ()
      %dma_start3A = arith.constant 0 : i32
      %dma_start3A_59 = arith.constant 0 : i32
      %dma_start3A_60 = tpu.memref_slice %arg8[%dma_start3A, %dma_start3A_59] : memref<640x16xf32, #tpu.memory_space<vmem>> -> memref<128x16xf32, #tpu.memory_space<vmem>>
      %dma_start3A_61 = arith.constant 0 : i32
      %dma_start3A_62 = tpu.memref_slice %arg7[%dma_start3A_61] : memref<640xi32, #tpu.memory_space<vmem>> -> memref<128xi32, #tpu.memory_space<vmem>>
      %dma_start3A_63 = arith.constant 0 : i32
      %dma_start3A_64 = arith.constant 0 : i32
      %dma_start3A_65 = tpu.memref_slice %arg2[%dma_start3A_63, %dma_start3A_64] : memref<1000000x16xf32, #tpu.memory_space<hbm>> -> memref<1000000x16xf32, #tpu.memory_space<hbm>>
      tpu.enqueue_indirect_dma source(%dma_start3A_65 : memref<1000000x16xf32, #tpu.memory_space<hbm>>) target(%dma_start3A_60 : memref<128x16xf32, #tpu.memory_space<vmem>>) offsets(%dma_start3A_62 : memref<128xi32, #tpu.memory_space<vmem>>) semaphore(%arg12 : memref<!tpu.dma_semaphore, #tpu.memory_space<semaphore_mem>>)
      %dma_start3A_66 = arith.constant 128 : i32
      %dma_start3A_67 = arith.constant 0 : i32
      %dma_start3A_68 = tpu.memref_slice %arg8[%dma_start3A_66, %dma_start3A_67] : memref<640x16xf32, #tpu.memory_space<vmem>> -> memref<128x16xf32, #tpu.memory_space<vmem>>
      %dma_start3A_69 = arith.constant 128 : i32
      %dma_start3A_70 = tpu.memref_slice %arg7[%dma_start3A_69] : memref<640xi32, #tpu.memory_space<vmem>> -> memref<128xi32, #tpu.memory_space<vmem>>
      %dma_start3A_71 = arith.constant 0 : i32
      %dma_start3A_72 = arith.constant 0 : i32
      %dma_start3A_73 = tpu.memref_slice %arg2[%dma_start3A_71, %dma_start3A_72] : memref<1000000x16xf32, #tpu.memory_space<hbm>> -> memref<1000000x16xf32, #tpu.memory_space<hbm>>
      tpu.enqueue_indirect_dma source(%dma_start3A_73 : memref<1000000x16xf32, #tpu.memory_space<hbm>>) target(%dma_start3A_68 : memref<128x16xf32, #tpu.memory_space<vmem>>) offsets(%dma_start3A_70 : memref<128xi32, #tpu.memory_space<vmem>>) semaphore(%arg12 : memref<!tpu.dma_semaphore, #tpu.memory_space<semaphore_mem>>)
      %dma_start3A_74 = arith.constant 256 : i32
      %dma_start3A_75 = arith.constant 0 : i32
      %dma_start3A_76 = tpu.memref_slice %arg8[%dma_start3A_74, %dma_start3A_75] : memref<640x16xf32, #tpu.memory_space<vmem>> -> memref<128x16xf32, #tpu.memory_space<vmem>>
      %dma_start3A_77 = arith.constant 256 : i32
      %dma_start3A_78 = tpu.memref_slice %arg7[%dma_start3A_77] : memref<640xi32, #tpu.memory_space<vmem>> -> memref<128xi32, #tpu.memory_space<vmem>>
      %dma_start3A_79 = arith.constant 0 : i32
      %dma_start3A_80 = arith.constant 0 : i32
      %dma_start3A_81 = tpu.memref_slice %arg2[%dma_start3A_79, %dma_start3A_80] : memref<1000000x16xf32, #tpu.memory_space<hbm>> -> memref<1000000x16xf32, #tpu.memory_space<hbm>>
      tpu.enqueue_indirect_dma source(%dma_start3A_81 : memref<1000000x16xf32, #tpu.memory_space<hbm>>) target(%dma_start3A_76 : memref<128x16xf32, #tpu.memory_space<vmem>>) offsets(%dma_start3A_78 : memref<128xi32, #tpu.memory_space<vmem>>) semaphore(%arg12 : memref<!tpu.dma_semaphore, #tpu.memory_space<semaphore_mem>>)
      %dma_start3A_82 = arith.constant 384 : i32
      %dma_start3A_83 = arith.constant 0 : i32
      %dma_start3A_84 = tpu.memref_slice %arg8[%dma_start3A_82, %dma_start3A_83] : memref<640x16xf32, #tpu.memory_space<vmem>> -> memref<128x16xf32, #tpu.memory_space<vmem>>
      %dma_start3A_85 = arith.constant 384 : i32
      %dma_start3A_86 = tpu.memref_slice %arg7[%dma_start3A_85] : memref<640xi32, #tpu.memory_space<vmem>> -> memref<128xi32, #tpu.memory_space<vmem>>
      %dma_start3A_87 = arith.constant 0 : i32
      %dma_start3A_88 = arith.constant 0 : i32
      %dma_start3A_89 = tpu.memref_slice %arg2[%dma_start3A_87, %dma_start3A_88] : memref<1000000x16xf32, #tpu.memory_space<hbm>> -> memref<1000000x16xf32, #tpu.memory_space<hbm>>
      tpu.enqueue_indirect_dma source(%dma_start3A_89 : memref<1000000x16xf32, #tpu.memory_space<hbm>>) target(%dma_start3A_84 : memref<128x16xf32, #tpu.memory_space<vmem>>) offsets(%dma_start3A_86 : memref<128xi32, #tpu.memory_space<vmem>>) semaphore(%arg12 : memref<!tpu.dma_semaphore, #tpu.memory_space<semaphore_mem>>)
      %dma_start3A_90 = arith.constant 512 : i32
      %dma_start3A_91 = arith.constant 0 : i32
      %dma_start3A_92 = tpu.memref_slice %arg8[%dma_start3A_90, %dma_start3A_91] : memref<640x16xf32, #tpu.memory_space<vmem>> -> memref<128x16xf32, #tpu.memory_space<vmem>>
      %dma_start3A_93 = arith.constant 512 : i32
      %dma_start3A_94 = tpu.memref_slice %arg7[%dma_start3A_93] : memref<640xi32, #tpu.memory_space<vmem>> -> memref<128xi32, #tpu.memory_space<vmem>>
      %dma_start3A_95 = arith.constant 0 : i32
      %dma_start3A_96 = arith.constant 0 : i32
      %dma_start3A_97 = tpu.memref_slice %arg2[%dma_start3A_95, %dma_start3A_96] : memref<1000000x16xf32, #tpu.memory_space<hbm>> -> memref<1000000x16xf32, #tpu.memory_space<hbm>>
      tpu.enqueue_indirect_dma source(%dma_start3A_97 : memref<1000000x16xf32, #tpu.memory_space<hbm>>) target(%dma_start3A_92 : memref<128x16xf32, #tpu.memory_space<vmem>>) offsets(%dma_start3A_94 : memref<128xi32, #tpu.memory_space<vmem>>) semaphore(%arg12 : memref<!tpu.dma_semaphore, #tpu.memory_space<semaphore_mem>>)
      %dma_wait3A = arith.constant 0 : i32
      %dma_wait3A_98 = arith.constant 0 : i32
      %dma_wait3A_99 = tpu.memref_slice %arg8[%dma_wait3A, %dma_wait3A_98] : memref<640x16xf32, #tpu.memory_space<vmem>> -> memref<128x16xf32, #tpu.memory_space<vmem>>
      %dma_wait3A_100 = arith.constant 0 : i32
      %dma_wait3A_101 = tpu.memref_slice %arg7[%dma_wait3A_100] : memref<640xi32, #tpu.memory_space<vmem>> -> memref<128xi32, #tpu.memory_space<vmem>>
      %dma_wait3A_102 = arith.constant 0 : i32
      %dma_wait3A_103 = arith.constant 0 : i32
      %dma_wait3A_104 = tpu.memref_slice %arg2[%dma_wait3A_102, %dma_wait3A_103] : memref<1000000x16xf32, #tpu.memory_space<hbm>> -> memref<1000000x16xf32, #tpu.memory_space<hbm>>
      tpu.wait_indirect_dma semaphore(%arg12 : memref<!tpu.dma_semaphore, #tpu.memory_space<semaphore_mem>>) src(%dma_wait3A_104 : memref<1000000x16xf32, #tpu.memory_space<hbm>>) dst(%dma_wait3A_99 : memref<128x16xf32, #tpu.memory_space<vmem>>)
      %dma_wait3A_105 = arith.constant 128 : i32
      %dma_wait3A_106 = arith.constant 0 : i32
      %dma_wait3A_107 = tpu.memref_slice %arg8[%dma_wait3A_105, %dma_wait3A_106] : memref<640x16xf32, #tpu.memory_space<vmem>> -> memref<128x16xf32, #tpu.memory_space<vmem>>
      %dma_wait3A_108 = arith.constant 128 : i32
      %dma_wait3A_109 = tpu.memref_slice %arg7[%dma_wait3A_108] : memref<640xi32, #tpu.memory_space<vmem>> -> memref<128xi32, #tpu.memory_space<vmem>>
      %dma_wait3A_110 = arith.constant 0 : i32
      %dma_wait3A_111 = arith.constant 0 : i32
      %dma_wait3A_112 = tpu.memref_slice %arg2[%dma_wait3A_110, %dma_wait3A_111] : memref<1000000x16xf32, #tpu.memory_space<hbm>> -> memref<1000000x16xf32, #tpu.memory_space<hbm>>
      tpu.wait_indirect_dma semaphore(%arg12 : memref<!tpu.dma_semaphore, #tpu.memory_space<semaphore_mem>>) src(%dma_wait3A_112 : memref<1000000x16xf32, #tpu.memory_space<hbm>>) dst(%dma_wait3A_107 : memref<128x16xf32, #tpu.memory_space<vmem>>)
      %dma_wait3A_113 = arith.constant 256 : i32
      %dma_wait3A_114 = arith.constant 0 : i32
      %dma_wait3A_115 = tpu.memref_slice %arg8[%dma_wait3A_113, %dma_wait3A_114] : memref<640x16xf32, #tpu.memory_space<vmem>> -> memref<128x16xf32, #tpu.memory_space<vmem>>
      %dma_wait3A_116 = arith.constant 256 : i32
      %dma_wait3A_117 = tpu.memref_slice %arg7[%dma_wait3A_116] : memref<640xi32, #tpu.memory_space<vmem>> -> memref<128xi32, #tpu.memory_space<vmem>>
      %dma_wait3A_118 = arith.constant 0 : i32
      %dma_wait3A_119 = arith.constant 0 : i32
      %dma_wait3A_120 = tpu.memref_slice %arg2[%dma_wait3A_118, %dma_wait3A_119] : memref<1000000x16xf32, #tpu.memory_space<hbm>> -> memref<1000000x16xf32, #tpu.memory_space<hbm>>
      tpu.wait_indirect_dma semaphore(%arg12 : memref<!tpu.dma_semaphore, #tpu.memory_space<semaphore_mem>>) src(%dma_wait3A_120 : memref<1000000x16xf32, #tpu.memory_space<hbm>>) dst(%dma_wait3A_115 : memref<128x16xf32, #tpu.memory_space<vmem>>)
      %dma_wait3A_121 = arith.constant 384 : i32
      %dma_wait3A_122 = arith.constant 0 : i32
      %dma_wait3A_123 = tpu.memref_slice %arg8[%dma_wait3A_121, %dma_wait3A_122] : memref<640x16xf32, #tpu.memory_space<vmem>> -> memref<128x16xf32, #tpu.memory_space<vmem>>
      %dma_wait3A_124 = arith.constant 384 : i32
      %dma_wait3A_125 = tpu.memref_slice %arg7[%dma_wait3A_124] : memref<640xi32, #tpu.memory_space<vmem>> -> memref<128xi32, #tpu.memory_space<vmem>>
      %dma_wait3A_126 = arith.constant 0 : i32
      %dma_wait3A_127 = arith.constant 0 : i32
      %dma_wait3A_128 = tpu.memref_slice %arg2[%dma_wait3A_126, %dma_wait3A_127] : memref<1000000x16xf32, #tpu.memory_space<hbm>> -> memref<1000000x16xf32, #tpu.memory_space<hbm>>
      tpu.wait_indirect_dma semaphore(%arg12 : memref<!tpu.dma_semaphore, #tpu.memory_space<semaphore_mem>>) src(%dma_wait3A_128 : memref<1000000x16xf32, #tpu.memory_space<hbm>>) dst(%dma_wait3A_123 : memref<128x16xf32, #tpu.memory_space<vmem>>)
      %dma_wait3A_129 = arith.constant 512 : i32
      %dma_wait3A_130 = arith.constant 0 : i32
      %dma_wait3A_131 = tpu.memref_slice %arg8[%dma_wait3A_129, %dma_wait3A_130] : memref<640x16xf32, #tpu.memory_space<vmem>> -> memref<128x16xf32, #tpu.memory_space<vmem>>
      %dma_wait3A_132 = arith.constant 512 : i32
      %dma_wait3A_133 = tpu.memref_slice %arg7[%dma_wait3A_132] : memref<640xi32, #tpu.memory_space<vmem>> -> memref<128xi32, #tpu.memory_space<vmem>>
      %dma_wait3A_134 = arith.constant 0 : i32
      %dma_wait3A_135 = arith.constant 0 : i32
      %dma_wait3A_136 = tpu.memref_slice %arg2[%dma_wait3A_134, %dma_wait3A_135] : memref<1000000x16xf32, #tpu.memory_space<hbm>> -> memref<1000000x16xf32, #tpu.memory_space<hbm>>
      tpu.wait_indirect_dma semaphore(%arg12 : memref<!tpu.dma_semaphore, #tpu.memory_space<semaphore_mem>>) src(%dma_wait3A_136 : memref<1000000x16xf32, #tpu.memory_space<hbm>>) dst(%dma_wait3A_131 : memref<128x16xf32, #tpu.memory_space<vmem>>)
      %scan3A_137 = arith.constant 0 : i32
      %scan3A_138 = arith.constant 0 : i32
      %scan3A_139 = arith.constant 640 : i32
      %scan3A_140 = arith.addi %scan3A_138, %scan3A_139 : i32
      %scan3A_141 = arith.constant 2 : i32
      scf.for %scan3A_143 = %scan3A_138 to %scan3A_140 step %scan3A_141  : i32 {
        %get3A_144 = arith.index_cast %scan3A_143 : i32 to index
        %get3A_145 = arith.constant 0 : index
        %get3A_146 = tpu.vector_load %arg8[%get3A_144, %get3A_145] {strides = array<i32>} : memref<640x16xf32, #tpu.memory_space<vmem>>, vector<1x16xf32>,
        %get3A_147 = vector.shape_cast %get3A_146 : vector<1x16xf32> to vector<16xf32>
        %broadcast_in_dim3A = vector.shape_cast %get3A_2 : vector<16xi32> to vector<16x1xi32>
        %gather3A = vector.shape_cast %broadcast_in_dim3A : vector<16x1xi32> to vector<16xi32>
        %gather3A_148 = tpu.dynamic_gather %get3A_147[%gather3A] in [0] : vector<16xf32>, vector<16xi32> -> vector<16xf32>
        %mul3A_149 = arith.mulf %gather3A_148, %get3A_26 : vector<16xf32>
        %swap3A = arith.index_cast %scan3A_143 : i32 to index
        %swap3A_150 = arith.constant 0 : index
        %swap3A_151 = tpu.vector_load %arg9[%swap3A, %swap3A_150] {strides = array<i32>} : memref<640x128xf32, #tpu.memory_space<vmem>>, vector<1x16xf32>,
        %swap3A_152 = vector.shape_cast %swap3A_151 : vector<1x16xf32> to vector<16xf32>
        %swap3A_153 = vector.shape_cast %mul3A_149 : vector<16xf32> to vector<1x16xf32>
        tpu.vector_store %arg9[%swap3A, %swap3A_150], %swap3A_153 {strides = array<i32>} : memref<640x128xf32, #tpu.memory_space<vmem>>, vector<1x16xf32>,
        %broadcast_in_dim3A_154 = vector.shape_cast %get3A_5 : vector<16xi32> to vector<16x1xi32>
        %gather3A_155 = vector.shape_cast %broadcast_in_dim3A_154 : vector<16x1xi32> to vector<16xi32>
        %gather3A_156 = tpu.dynamic_gather %get3A_147[%gather3A_155] in [0] : vector<16xf32>, vector<16xi32> -> vector<16xf32>
        %mul3A_157 = arith.mulf %gather3A_156, %get3A_29 : vector<16xf32>
        %swap3A_158 = arith.index_cast %scan3A_143 : i32 to index
        %swap3A_159 = arith.constant 16 : index
        %swap3A_160 = tpu.vector_load %arg9[%swap3A_158, %swap3A_159] {strides = array<i32>} : memref<640x128xf32, #tpu.memory_space<vmem>>, vector<1x16xf32>,
        %swap3A_161 = vector.shape_cast %swap3A_160 : vector<1x16xf32> to vector<16xf32>
        %swap3A_162 = vector.shape_cast %mul3A_157 : vector<16xf32> to vector<1x16xf32>
        tpu.vector_store %arg9[%swap3A_158, %swap3A_159], %swap3A_162 {strides = array<i32>} : memref<640x128xf32, #tpu.memory_space<vmem>>, vector<1x16xf32>,
        %broadcast_in_dim3A_163 = vector.shape_cast %get3A_8 : vector<16xi32> to vector<16x1xi32>
        %gather3A_164 = vector.shape_cast %broadcast_in_dim3A_163 : vector<16x1xi32> to vector<16xi32>
        %gather3A_165 = tpu.dynamic_gather %get3A_147[%gather3A_164] in [0] : vector<16xf32>, vector<16xi32> -> vector<16xf32>
        %mul3A_166 = arith.mulf %gather3A_165, %get3A_32 : vector<16xf32>
        %swap3A_167 = arith.index_cast %scan3A_143 : i32 to index
        %swap3A_168 = arith.constant 32 : index
        %swap3A_169 = tpu.vector_load %arg9[%swap3A_167, %swap3A_168] {strides = array<i32>} : memref<640x128xf32, #tpu.memory_space<vmem>>, vector<1x16xf32>,
        %swap3A_170 = vector.shape_cast %swap3A_169 : vector<1x16xf32> to vector<16xf32>
        %swap3A_171 = vector.shape_cast %mul3A_166 : vector<16xf32> to vector<1x16xf32>
        tpu.vector_store %arg9[%swap3A_167, %swap3A_168], %swap3A_171 {strides = array<i32>} : memref<640x128xf32, #tpu.memory_space<vmem>>, vector<1x16xf32>,
        %broadcast_in_dim3A_172 = vector.shape_cast %get3A_11 : vector<16xi32> to vector<16x1xi32>
        %gather3A_173 = vector.shape_cast %broadcast_in_dim3A_172 : vector<16x1xi32> to vector<16xi32>
        %gather3A_174 = tpu.dynamic_gather %get3A_147[%gather3A_173] in [0] : vector<16xf32>, vector<16xi32> -> vector<16xf32>
        %mul3A_175 = arith.mulf %gather3A_174, %get3A_35 : vector<16xf32>
        %swap3A_176 = arith.index_cast %scan3A_143 : i32 to index
        %swap3A_177 = arith.constant 48 : index
        %swap3A_178 = tpu.vector_load %arg9[%swap3A_176, %swap3A_177] {strides = array<i32>} : memref<640x128xf32, #tpu.memory_space<vmem>>, vector<1x16xf32>,
        %swap3A_179 = vector.shape_cast %swap3A_178 : vector<1x16xf32> to vector<16xf32>
        %swap3A_180 = vector.shape_cast %mul3A_175 : vector<16xf32> to vector<1x16xf32>
        tpu.vector_store %arg9[%swap3A_176, %swap3A_177], %swap3A_180 {strides = array<i32>} : memref<640x128xf32, #tpu.memory_space<vmem>>, vector<1x16xf32>,
        %broadcast_in_dim3A_181 = vector.shape_cast %get3A_14 : vector<16xi32> to vector<16x1xi32>
        %gather3A_182 = vector.shape_cast %broadcast_in_dim3A_181 : vector<16x1xi32> to vector<16xi32>
        %gather3A_183 = tpu.dynamic_gather %get3A_147[%gather3A_182] in [0] : vector<16xf32>, vector<16xi32> -> vector<16xf32>
        %mul3A_184 = arith.mulf %gather3A_183, %get3A_38 : vector<16xf32>
        %swap3A_185 = arith.index_cast %scan3A_143 : i32 to index
        %swap3A_186 = arith.constant 64 : index
        %swap3A_187 = tpu.vector_load %arg9[%swap3A_185, %swap3A_186] {strides = array<i32>} : memref<640x128xf32, #tpu.memory_space<vmem>>, vector<1x16xf32>,
        %swap3A_188 = vector.shape_cast %swap3A_187 : vector<1x16xf32> to vector<16xf32>
        %swap3A_189 = vector.shape_cast %mul3A_184 : vector<16xf32> to vector<1x16xf32>
        tpu.vector_store %arg9[%swap3A_185, %swap3A_186], %swap3A_189 {strides = array<i32>} : memref<640x128xf32, #tpu.memory_space<vmem>>, vector<1x16xf32>,
        %broadcast_in_dim3A_190 = vector.shape_cast %get3A_17 : vector<16xi32> to vector<16x1xi32>
        %gather3A_191 = vector.shape_cast %broadcast_in_dim3A_190 : vector<16x1xi32> to vector<16xi32>
        %gather3A_192 = tpu.dynamic_gather %get3A_147[%gather3A_191] in [0] : vector<16xf32>, vector<16xi32> -> vector<16xf32>
        %mul3A_193 = arith.mulf %gather3A_192, %get3A_41 : vector<16xf32>
        %swap3A_194 = arith.index_cast %scan3A_143 : i32 to index
        %swap3A_195 = arith.constant 80 : index
        %swap3A_196 = tpu.vector_load %arg9[%swap3A_194, %swap3A_195] {strides = array<i32>} : memref<640x128xf32, #tpu.memory_space<vmem>>, vector<1x16xf32>,
        %swap3A_197 = vector.shape_cast %swap3A_196 : vector<1x16xf32> to vector<16xf32>
        %swap3A_198 = vector.shape_cast %mul3A_193 : vector<16xf32> to vector<1x16xf32>
        tpu.vector_store %arg9[%swap3A_194, %swap3A_195], %swap3A_198 {strides = array<i32>} : memref<640x128xf32, #tpu.memory_space<vmem>>, vector<1x16xf32>,
        %broadcast_in_dim3A_199 = vector.shape_cast %get3A_20 : vector<16xi32> to vector<16x1xi32>
        %gather3A_200 = vector.shape_cast %broadcast_in_dim3A_199 : vector<16x1xi32> to vector<16xi32>
        %gather3A_201 = tpu.dynamic_gather %get3A_147[%gather3A_200] in [0] : vector<16xf32>, vector<16xi32> -> vector<16xf32>
        %mul3A_202 = arith.mulf %gather3A_201, %get3A_44 : vector<16xf32>
        %swap3A_203 = arith.index_cast %scan3A_143 : i32 to index
        %swap3A_204 = arith.constant 96 : index
        %swap3A_205 = tpu.vector_load %arg9[%swap3A_203, %swap3A_204] {strides = array<i32>} : memref<640x128xf32, #tpu.memory_space<vmem>>, vector<1x16xf32>,
        %swap3A_206 = vector.shape_cast %swap3A_205 : vector<1x16xf32> to vector<16xf32>
        %swap3A_207 = vector.shape_cast %mul3A_202 : vector<16xf32> to vector<1x16xf32>
        tpu.vector_store %arg9[%swap3A_203, %swap3A_204], %swap3A_207 {strides = array<i32>} : memref<640x128xf32, #tpu.memory_space<vmem>>, vector<1x16xf32>,
        %broadcast_in_dim3A_208 = vector.shape_cast %get3A_23 : vector<16xi32> to vector<16x1xi32>
        %gather3A_209 = vector.shape_cast %broadcast_in_dim3A_208 : vector<16x1xi32> to vector<16xi32>
        %gather3A_210 = tpu.dynamic_gather %get3A_147[%gather3A_209] in [0] : vector<16xf32>, vector<16xi32> -> vector<16xf32>
        %mul3A_211 = arith.mulf %gather3A_210, %get3A_47 : vector<16xf32>
        %swap3A_212 = arith.index_cast %scan3A_143 : i32 to index
        %swap3A_213 = arith.constant 112 : index
        %swap3A_214 = tpu.vector_load %arg9[%swap3A_212, %swap3A_213] {strides = array<i32>} : memref<640x128xf32, #tpu.memory_space<vmem>>, vector<1x16xf32>,
        %swap3A_215 = vector.shape_cast %swap3A_214 : vector<1x16xf32> to vector<16xf32>
        %swap3A_216 = vector.shape_cast %mul3A_211 : vector<16xf32> to vector<1x16xf32>
        tpu.vector_store %arg9[%swap3A_212, %swap3A_213], %swap3A_216 {strides = array<i32>} : memref<640x128xf32, #tpu.memory_space<vmem>>, vector<1x16xf32>,
        %scan3A_217 = arith.constant 1 : i32
        %scan3A_218 = arith.addi %scan3A_143, %scan3A_217 : i32
        %get3A_219 = arith.index_cast %scan3A_218 : i32 to index
        %get3A_220 = arith.constant 0 : index
        %get3A_221 = tpu.vector_load %arg8[%get3A_219, %get3A_220] {strides = array<i32>} : memref<640x16xf32, #tpu.memory_space<vmem>>, vector<1x16xf32>,
        %get3A_222 = vector.shape_cast %get3A_221 : vector<1x16xf32> to vector<16xf32>
        %broadcast_in_dim3A_223 = vector.shape_cast %get3A_2 : vector<16xi32> to vector<16x1xi32>
        %gather3A_224 = vector.shape_cast %broadcast_in_dim3A_223 : vector<16x1xi32> to vector<16xi32>
        %gather3A_225 = tpu.dynamic_gather %get3A_222[%gather3A_224] in [0] : vector<16xf32>, vector<16xi32> -> vector<16xf32>
        %mul3A_226 = arith.mulf %gather3A_225, %get3A_26 : vector<16xf32>
        %swap3A_227 = arith.index_cast %scan3A_218 : i32 to index
        %swap3A_228 = arith.constant 0 : index
        %swap3A_229 = tpu.vector_load %arg9[%swap3A_227, %swap3A_228] {strides = array<i32>} : memref<640x128xf32, #tpu.memory_space<vmem>>, vector<1x16xf32>,
        %swap3A_230 = vector.shape_cast %swap3A_229 : vector<1x16xf32> to vector<16xf32>
        %swap3A_231 = vector.shape_cast %mul3A_226 : vector<16xf32> to vector<1x16xf32>
        tpu.vector_store %arg9[%swap3A_227, %swap3A_228], %swap3A_231 {strides = array<i32>} : memref<640x128xf32, #tpu.memory_space<vmem>>, vector<1x16xf32>,
        %broadcast_in_dim3A_232 = vector.shape_cast %get3A_5 : vector<16xi32> to vector<16x1xi32>
        %gather3A_233 = vector.shape_cast %broadcast_in_dim3A_232 : vector<16x1xi32> to vector<16xi32>
        %gather3A_234 = tpu.dynamic_gather %get3A_222[%gather3A_233] in [0] : vector<16xf32>, vector<16xi32> -> vector<16xf32>
        %mul3A_235 = arith.mulf %gather3A_234, %get3A_29 : vector<16xf32>
        %swap3A_236 = arith.index_cast %scan3A_218 : i32 to index
        %swap3A_237 = arith.constant 16 : index
        %swap3A_238 = tpu.vector_load %arg9[%swap3A_236, %swap3A_237] {strides = array<i32>} : memref<640x128xf32, #tpu.memory_space<vmem>>, vector<1x16xf32>,
        %swap3A_239 = vector.shape_cast %swap3A_238 : vector<1x16xf32> to vector<16xf32>
        %swap3A_240 = vector.shape_cast %mul3A_235 : vector<16xf32> to vector<1x16xf32>
        tpu.vector_store %arg9[%swap3A_236, %swap3A_237], %swap3A_240 {strides = array<i32>} : memref<640x128xf32, #tpu.memory_space<vmem>>, vector<1x16xf32>,
        %broadcast_in_dim3A_241 = vector.shape_cast %get3A_8 : vector<16xi32> to vector<16x1xi32>
        %gather3A_242 = vector.shape_cast %broadcast_in_dim3A_241 : vector<16x1xi32> to vector<16xi32>
        %gather3A_243 = tpu.dynamic_gather %get3A_222[%gather3A_242] in [0] : vector<16xf32>, vector<16xi32> -> vector<16xf32>
        %mul3A_244 = arith.mulf %gather3A_243, %get3A_32 : vector<16xf32>
        %swap3A_245 = arith.index_cast %scan3A_218 : i32 to index
        %swap3A_246 = arith.constant 32 : index
        %swap3A_247 = tpu.vector_load %arg9[%swap3A_245, %swap3A_246] {strides = array<i32>} : memref<640x128xf32, #tpu.memory_space<vmem>>, vector<1x16xf32>,
        %swap3A_248 = vector.shape_cast %swap3A_247 : vector<1x16xf32> to vector<16xf32>
        %swap3A_249 = vector.shape_cast %mul3A_244 : vector<16xf32> to vector<1x16xf32>
        tpu.vector_store %arg9[%swap3A_245, %swap3A_246], %swap3A_249 {strides = array<i32>} : memref<640x128xf32, #tpu.memory_space<vmem>>, vector<1x16xf32>,
        %broadcast_in_dim3A_250 = vector.shape_cast %get3A_11 : vector<16xi32> to vector<16x1xi32>
        %gather3A_251 = vector.shape_cast %broadcast_in_dim3A_250 : vector<16x1xi32> to vector<16xi32>
        %gather3A_252 = tpu.dynamic_gather %get3A_222[%gather3A_251] in [0] : vector<16xf32>, vector<16xi32> -> vector<16xf32>
        %mul3A_253 = arith.mulf %gather3A_252, %get3A_35 : vector<16xf32>
        %swap3A_254 = arith.index_cast %scan3A_218 : i32 to index
        %swap3A_255 = arith.constant 48 : index
        %swap3A_256 = tpu.vector_load %arg9[%swap3A_254, %swap3A_255] {strides = array<i32>} : memref<640x128xf32, #tpu.memory_space<vmem>>, vector<1x16xf32>,
        %swap3A_257 = vector.shape_cast %swap3A_256 : vector<1x16xf32> to vector<16xf32>
        %swap3A_258 = vector.shape_cast %mul3A_253 : vector<16xf32> to vector<1x16xf32>
        tpu.vector_store %arg9[%swap3A_254, %swap3A_255], %swap3A_258 {strides = array<i32>} : memref<640x128xf32, #tpu.memory_space<vmem>>, vector<1x16xf32>,
        %broadcast_in_dim3A_259 = vector.shape_cast %get3A_14 : vector<16xi32> to vector<16x1xi32>
        %gather3A_260 = vector.shape_cast %broadcast_in_dim3A_259 : vector<16x1xi32> to vector<16xi32>
        %gather3A_261 = tpu.dynamic_gather %get3A_222[%gather3A_260] in [0] : vector<16xf32>, vector<16xi32> -> vector<16xf32>
        %mul3A_262 = arith.mulf %gather3A_261, %get3A_38 : vector<16xf32>
        %swap3A_263 = arith.index_cast %scan3A_218 : i32 to index
        %swap3A_264 = arith.constant 64 : index
        %swap3A_265 = tpu.vector_load %arg9[%swap3A_263, %swap3A_264] {strides = array<i32>} : memref<640x128xf32, #tpu.memory_space<vmem>>, vector<1x16xf32>,
        %swap3A_266 = vector.shape_cast %swap3A_265 : vector<1x16xf32> to vector<16xf32>
        %swap3A_267 = vector.shape_cast %mul3A_262 : vector<16xf32> to vector<1x16xf32>
        tpu.vector_store %arg9[%swap3A_263, %swap3A_264], %swap3A_267 {strides = array<i32>} : memref<640x128xf32, #tpu.memory_space<vmem>>, vector<1x16xf32>,
        %broadcast_in_dim3A_268 = vector.shape_cast %get3A_17 : vector<16xi32> to vector<16x1xi32>
        %gather3A_269 = vector.shape_cast %broadcast_in_dim3A_268 : vector<16x1xi32> to vector<16xi32>
        %gather3A_270 = tpu.dynamic_gather %get3A_222[%gather3A_269] in [0] : vector<16xf32>, vector<16xi32> -> vector<16xf32>
        %mul3A_271 = arith.mulf %gather3A_270, %get3A_41 : vector<16xf32>
        %swap3A_272 = arith.index_cast %scan3A_218 : i32 to index
        %swap3A_273 = arith.constant 80 : index
        %swap3A_274 = tpu.vector_load %arg9[%swap3A_272, %swap3A_273] {strides = array<i32>} : memref<640x128xf32, #tpu.memory_space<vmem>>, vector<1x16xf32>,
        %swap3A_275 = vector.shape_cast %swap3A_274 : vector<1x16xf32> to vector<16xf32>
        %swap3A_276 = vector.shape_cast %mul3A_271 : vector<16xf32> to vector<1x16xf32>
        tpu.vector_store %arg9[%swap3A_272, %swap3A_273], %swap3A_276 {strides = array<i32>} : memref<640x128xf32, #tpu.memory_space<vmem>>, vector<1x16xf32>,
        %broadcast_in_dim3A_277 = vector.shape_cast %get3A_20 : vector<16xi32> to vector<16x1xi32>
        %gather3A_278 = vector.shape_cast %broadcast_in_dim3A_277 : vector<16x1xi32> to vector<16xi32>
        %gather3A_279 = tpu.dynamic_gather %get3A_222[%gather3A_278] in [0] : vector<16xf32>, vector<16xi32> -> vector<16xf32>
        %mul3A_280 = arith.mulf %gather3A_279, %get3A_44 : vector<16xf32>
        %swap3A_281 = arith.index_cast %scan3A_218 : i32 to index
        %swap3A_282 = arith.constant 96 : index
        %swap3A_283 = tpu.vector_load %arg9[%swap3A_281, %swap3A_282] {strides = array<i32>} : memref<640x128xf32, #tpu.memory_space<vmem>>, vector<1x16xf32>,
        %swap3A_284 = vector.shape_cast %swap3A_283 : vector<1x16xf32> to vector<16xf32>
        %swap3A_285 = vector.shape_cast %mul3A_280 : vector<16xf32> to vector<1x16xf32>
        tpu.vector_store %arg9[%swap3A_281, %swap3A_282], %swap3A_285 {strides = array<i32>} : memref<640x128xf32, #tpu.memory_space<vmem>>, vector<1x16xf32>,
        %broadcast_in_dim3A_286 = vector.shape_cast %get3A_23 : vector<16xi32> to vector<16x1xi32>
        %gather3A_287 = vector.shape_cast %broadcast_in_dim3A_286 : vector<16x1xi32> to vector<16xi32>
        %gather3A_288 = tpu.dynamic_gather %get3A_222[%gather3A_287] in [0] : vector<16xf32>, vector<16xi32> -> vector<16xf32>
        %mul3A_289 = arith.mulf %gather3A_288, %get3A_47 : vector<16xf32>
        %swap3A_290 = arith.index_cast %scan3A_218 : i32 to index
        %swap3A_291 = arith.constant 112 : index
        %swap3A_292 = tpu.vector_load %arg9[%swap3A_290, %swap3A_291] {strides = array<i32>} : memref<640x128xf32, #tpu.memory_space<vmem>>, vector<1x16xf32>,
        %swap3A_293 = vector.shape_cast %swap3A_292 : vector<1x16xf32> to vector<16xf32>
        %swap3A_294 = vector.shape_cast %mul3A_289 : vector<16xf32> to vector<1x16xf32>
        tpu.vector_store %arg9[%swap3A_290, %swap3A_291], %swap3A_294 {strides = array<i32>} : memref<640x128xf32, #tpu.memory_space<vmem>>, vector<1x16xf32>,
      }
      %scan3A_142 = arith.constant 640 : i32
      "tpu.region"() ({
        %run_scoped3A = tpu.sem_alloc : memref<!tpu.dma_semaphore, #tpu.memory_space<semaphore_mem>>
        %dma_start3A_143 = arith.constant 0 : i32
        %dma_start3A_144 = tpu.memref_slice %arg6[%add3A_58, %dma_start3A_143] : memref<204800x128xf32, #tpu.memory_space<hbm>> -> memref<640x128xf32, #tpu.memory_space<hbm>>
        %dma_start3A_145 = arith.constant 0 : i32
        %dma_start3A_146 = tpu.memref_slice %arg6[%add3A_58, %dma_start3A_145] : memref<204800x128xf32, #tpu.memory_space<hbm>> -> memref<640x128xf32, #tpu.memory_space<hbm>>
        tpu.enqueue_dma source(%arg9 : memref<640x128xf32, #tpu.memory_space<vmem>>) target(%dma_start3A_146 : memref<640x128xf32, #tpu.memory_space<hbm>>) target_semaphore(%run_scoped3A : memref<!tpu.dma_semaphore, #tpu.memory_space<semaphore_mem>>)
        %dma_wait3A_147 = arith.constant 0 : i32
        %dma_wait3A_148 = tpu.memref_slice %arg6[%add3A_58, %dma_wait3A_147] : memref<204800x128xf32, #tpu.memory_space<hbm>> -> memref<640x128xf32, #tpu.memory_space<hbm>>
        %dma_wait3A_149 = arith.constant 0 : i32
        %dma_wait3A_150 = tpu.memref_slice %arg6[%add3A_58, %dma_wait3A_149] : memref<204800x128xf32, #tpu.memory_space<hbm>> -> memref<640x128xf32, #tpu.memory_space<hbm>>
        tpu.wait_dma2 semaphore(%run_scoped3A : memref<!tpu.dma_semaphore, #tpu.memory_space<semaphore_mem>>) src(%arg9 : memref<640x128xf32, #tpu.memory_space<vmem>>) dst(%dma_wait3A_150 : memref<640x128xf32, #tpu.memory_space<hbm>>)
        tpu.yield
      }) : () -> ()
    }
    %scan3A_54 = arith.constant 10 : i32
    return
  }
}

</mosaic_0001>

<sc_bundles>
// kernel: _run.3.cloned.1.call-start
scs
__scs_entry_jumppad:
0x0: {  	(pc) =	sbr.rel $0x88, $3  }
0x1: {  	(tag) =	ssettag $0x0;
	lr =	simm.s32 $0x1  }
0x2: {  	[smem:$0x3F9D] =	sst lr;
	_ =	strace $0xD0000000  }
0x3: {  	_ = 	snop  }
0x4: {  	_ = 	snop  }
0x5: {  	_ = 	snop  }
0x6: {  	_ = 	snop  }
0x7: {  	_ = 	snop  }
__scs_overlays_trampoline_lowered:
0x8: {  	[smem:$0x3FAC] =	sst s0  }
0x9: {  	[smem:$0x3FAD] =	sst s1  }
0xa: {  	[smem:$0x3FAE] =	sst s2  }
0xb: {  	[smem:$0x3FAF] =	sst s3  }
0xc: {  	[smem:$0x3FB0] =	sst s4  }
0xd: {  	[smem:$0x3FB1] =	sst s5  }
0xe: {  	[smem:$0x3FB2] =	sst s6  }
0xf: {  	[smem:$0x3FB3] =	sst s7  }
0x10: {  	[smem:$0x3FB4] =	sst s8  }
0x11: {  	[smem:$0x3FB5] =	sst s9;
	s0 =	simm.s32 @!p0 $0x0  }
0x12: {  	s1 =	sld [smem:$0x3F9B];
	s0 =	simm.s32 @p0 $0x1  }
0x13: {  	[smem:$0x3FB6] =	sst s0;
	s0 =	simm.s32 @!p1 $0x0  }
0x14: {  	s2 =	sld [smem:$0x3F9A];
	s0 =	simm.s32 @p1 $0x1  }
0x15: {  	[smem:$0x3FB7] =	sst s0;
	s0 =	simm.s32 @!p2 $0x0  }
0x16: {  	s3 =	sld [smem:$0x3FDB];
	s0 =	simm.s32 @p2 $0x1  }
0x17: {  	s4 =	simm.s32 $0x1BF5;
	[smem:$0x3FB9] =	sst s0  }
0x18: {  	s0 =	sld [smem:$0x3F9C];
	_ =	swait.ge [sflag:s4], $0x0  }
0x19: {  	s7 =	sld [smem:$0x3F9D]  }
0x1a: {  	s8 =	sadd.s32 $0xFFFFE003, lr  }
0x1b: {  	s9 =	sadd.s32 $0xFFFFFEF7, lr;
	s5 =	simm.s32 $0xFFFFFFFF;
	p2 =	slt.u32 s8, $0xFFFFF086  }
0x1c: {  	p1 =	slt.u32 s9, $0xF7A;
	s5 =	simm.s32 @!p2 $0x0  }
0x1d: {  	s5 =	simm.s32 @p1 $0x1;
	p0 =	seq.s32 s7, s2  }
0x1e: {  	s7 =	smul.u32 @!p0 $0xF7A, s2;
	p2 =	seq.s32 @!p0 s5, $0x0  }
0x1f: {  	s9 =	smul.u32 $0xF7A, s1;
	s8 =	simm.s32 @!p0 $0x1BF5;
	p2 =	por !p2, p0  }
0x20: {  	[sflag:s8] =	ssyncset.s32 @!p0 $0xFFFFF086;
	s6 =	sadd.s32 @!p0 s3, s7;
	s7 =	simm.s32 @!p0 $0x108  }
0x21: {  	s3 =	sadd.s32 s3, s9;
	s6 =	sadd.s32 @!p0 $0x88, s6;
	s7 =	simm.s32 @p2 $0x1082  }
0x22: {  	[simem:s7], [sflag:s8] =	dma.local @!p0 [hbm:s6], $0xF7A  }
0x23: {  	s9 =	sor.u32 $0xD0000000, s2;
	s6 =	simm.s32 $0x108;
	_ =	swait.ge @!p0 [sflag:s8], $0x0  }
0x24: {  	s3 =	sadd.s32 $0x88, s3;
	s6 =	simm.s32 @!p1 $0x1082;
	[sflag:s4] =	ssyncset.s32 $0xFFFFF086  }
0x25: {  	[simem:s6], [sflag:s4] =	dma.local [hbm:s3], $0xF7A  }
0x26: {  	[smem:$0x3F9D] =	sst s1;
	(tag) =	ssettag s2;
	_ =	strace s9  }
0x27: {  	s1 =	sld [smem:$0x3FAD]  }
0x28: {  	s2 =	sld [smem:$0x3FAE]  }
0x29: {  	s4 =	sld [smem:$0x3FB0]  }
0x2a: {  	p0 =	seq.s32 s5, $0x0;
	s5 =	sld [smem:$0x3FB1]  }
0x2b: {  	s6 =	sld [smem:$0x3FB2]  }
0x2c: {  	s7 =	sld [smem:$0x3FB3]  }
0x2d: {  	s3 =	simm.s32 $0x108;
	s8 =	sld [smem:$0x3FB4]  }
0x2e: {  	s3 =	simm.s32 @!p0 $0x1082;
	s9 =	sld [smem:$0x3FB5]  }
0x2f: {  	lr =	sadd.s32 s0, s3;
	s0 =	sld [smem:$0x3FAC]  }
0x30: {  	s3 =	sld [smem:$0x3FAF]  }
0x31: {  	[smem:$0x3FB8] =	sst s10  }
0x32: {  	s10 =	sld [smem:$0x3FB6];
	_ =	sdelay $0x3  }
0x33: {  	p0 =	seq.s32 s10, $0x1;
	s10 =	sld [smem:$0x3FB8];
	_ =	sdelay $0x3  }
0x34: {  	[smem:$0x3FB8] =	sst s10  }
0x35: {  	s10 =	sld [smem:$0x3FB7];
	_ =	sdelay $0x3  }
0x36: {  	p1 =	seq.s32 s10, $0x1;
	s10 =	sld [smem:$0x3FB8];
	_ =	sdelay $0x3  }
0x37: {  	[smem:$0x3FB8] =	sst s10  }
0x38: {  	s10 =	sld [smem:$0x3FB9]  }
0x39: {  	_ = 	snop;
	(pc) =	sbr.ind lr, $3  }
0x3a: {  	_ = 	snop  }
0x3b: {  	_ = 	snop  }
0x3c: {  	p2 =	seq.s32 s10, $0x1;
	s10 =	sld [smem:$0x3FB8]  }
0x3d: {  	_ =	shalt  }
0x3e: {  	_ =	shalt  }
0x3f: {  	_ =	shalt  }
0x40: {  	_ =	shalt  }
0x41: {  	_ =	shalt  }
0x42: {  	_ =	shalt  }
0x43: {  	_ =	shalt  }
0x44: {  	_ =	shalt  }
0x45: {  	_ =	shalt  }
0x46: {  	_ =	shalt  }
0x47: {  	_ =	shalt  }
0x48: {  	_ =	shalt  }
0x49: {  	_ =	shalt  }
0x4a: {  	_ =	shalt  }
0x4b: {  	_ =	shalt  }
0x4c: {  	_ =	shalt  }
0x4d: {  	_ =	shalt  }
0x4e: {  	_ =	shalt  }
0x4f: {  	_ =	shalt  }
0x50: {  	_ =	shalt  }
0x51: {  	_ =	shalt  }
0x52: {  	_ =	shalt  }
0x53: {  	_ =	shalt  }
0x54: {  	_ =	shalt  }
0x55: {  	_ =	shalt  }
0x56: {  	_ =	shalt  }
0x57: {  	_ =	shalt  }
0x58: {  	_ =	shalt  }
0x59: {  	_ =	shalt  }
0x5a: {  	_ =	shalt  }
0x5b: {  	_ =	shalt  }
0x5c: {  	_ =	shalt  }
0x5d: {  	_ =	shalt  }
0x5e: {  	_ =	shalt  }
0x5f: {  	_ =	shalt  }
0x60: {  	_ =	shalt  }
0x61: {  	_ =	shalt  }
0x62: {  	_ =	shalt  }
0x63: {  	_ =	shalt  }
0x64: {  	_ =	shalt  }
0x65: {  	_ =	shalt  }
0x66: {  	_ =	shalt  }
0x67: {  	_ =	shalt  }
0x68: {  	_ =	shalt  }
0x69: {  	_ =	shalt  }
0x6a: {  	_ =	shalt  }
0x6b: {  	_ =	shalt  }
0x6c: {  	_ =	shalt  }
0x6d: {  	_ =	shalt  }
0x6e: {  	_ =	shalt  }
0x6f: {  	_ =	shalt  }
0x70: {  	_ =	shalt  }
0x71: {  	_ =	shalt  }
0x72: {  	_ =	shalt  }
0x73: {  	_ =	shalt  }
0x74: {  	_ =	shalt  }
0x75: {  	_ =	shalt  }
0x76: {  	_ =	shalt  }
0x77: {  	_ =	shalt  }
0x78: {  	_ =	shalt  }
0x79: {  	_ =	shalt  }
0x7a: {  	_ =	shalt  }
0x7b: {  	_ =	shalt  }
0x7c: {  	_ =	shalt  }
0x7d: {  	_ =	shalt  }
0x7e: {  	_ =	shalt  }
0x7f: {  	_ =	shalt  }
0x80: {  	_ =	shalt  }
0x81: {  	_ =	shalt  }
0x82: {  	_ =	shalt  }
0x83: {  	_ =	shalt  }
0x84: {  	_ =	shalt  }
0x85: {  	_ =	shalt  }
0x86: {  	_ =	shalt  }
0x87: {  	_ =	shalt  }
.Lfunc_end0:
.L_simem_size_0:
called_computation_lowered:
.L_overlay_start_0:
0x88: {  	s2 =	sld [smem:$0x3FD9]  }
0x89: {  	s3 =	sld [smem:$0x3FFE];
	_ =	sdelay $0x1  }
0x8a: {  	s1 =	srdreg.scid  }
0x8b: {  	s0 =	sand.u32 $0x1, s1  }
0x8c: {  	s17 =	sshll.u32 s0, $0xA;
	s2 =	sadd.s32 s3, s2  }
0x8d: {  	s2 =	sadd.s32 s2, s17  }
0x8e: {  	[smem:$0x3FC4] =	sst s2  }
0x8f: {  	_ = 	snop  }
0x90: {  	s2 =	sld [smem:$0x3FC8]  }
0x91: {  	s18 =	sld [smem:$0x3FC7]  }
0x92: {  	s4 =	sld [smem:$0x3FC6]  }
0x93: {  	s5 =	sld [smem:$0x3FD0];
	(tm) =	ssettm $0x1  }
0x94: {  	s6 =	sld [smem:$0x3FFB];
	_ =	sdelay $0x3  }
0x95: {  	_ =	strace s6  }
0x96: {  	s6 =	sld [smem:$0x3FFC];
	_ =	sdelay $0x3  }
0x97: {  	_ =	strace s6  }
0x98: {  	s6 =	sld [smem:$0x3FFD];
	_ =	sdelay $0x3  }
0x99: {  	_ =	strace s6  }
0x9a: {  	_ =	strace $0x8FFFFFFF  }
0x9b: {  	s19 =	sld [smem:$0x3FDB];
	_ =	sdelay $0x1  }
0x9c: {  	s7 =	simm.s32 $_scs_section_size  }
0x9d: {  	s8 =	simm.s32 $_size__tile_overlayer_lowered;
	s9 =	simm.s32 $_tile_overlayer_lowered  }
0x9e: {  	s22 =	simm.s32 $0x1BFF;
	s21 =	sshll.u32 s9, $0x1;
	s6 =	sadd.s32 s7, s19  }
0x9f: {  	s10 =	simm.s32 $0x0;
	s20 =	sshll.u32 s8, $0x1;
	s8 =	sadd.s32 s21, s6  }
0xa0: {  	[timem:s10], [sflag:s22] =	dma.local [hbm:s8], s20  }
0xa1: {  	_ =	swait.ge [sflag:s22], s20  }
0xa2: {  	s7 =	ssub.s32 $0x0, s20;
	[sflag:s22] =	ssyncset.done $0x0  }
0xa3: {  	[sflag:s22] =	ssyncadd.s32 s7;
	_ =	sdelay $0x1  }
0xa4: {  	s23 =	simm.s32 $0x1B8B  }
0xa5: {  	_ =	swait.ge [sflag:s23], $0x1  }
0xa6: {  	[sflag:s23] =	ssyncset.done $0x0  }
0xa7: {  	s25 =	simm.s32 $0x1B8E;
	s24 =	sld [smem:$0x3FFE];
	[sflag:s23] =	ssyncadd.s32 $0xFFFFFFFF  }
0xa8: {  	s26 =	simm.s32 $execute0_lowered;
	[smem:$0x3FD2] =	sst s25  }
0xa9: {  	s8 =	sshll.u32 s26, $0x1;
	_ =	strace $0x80000046;
	[dreg:$0x1] =	wrdreg $0xFFFFFFFF  }
0xaa: {  	s28 =	simm.s32 $_size_execute0_lowered;
	s6 =	sadd.s32 s6, s8;
	[dreg:$0x0] =	wrdreg $0x0  }
0xab: {  	s8 =	sshll.u32 s28, $0x1;
	[dreg:$0x2] =	wrdreg s6  }
0xac: {  	[dreg:$0x3] =	wrdreg s8  }
0xad: {  	[dreg:$0x4] =	wrdreg $0xC0  }
0xae: {  	_ =	task [dreg:s10], $0x5FFFF  }
0xaf: {  	[dreg:$0x1] =	wrdreg $0xFFFFFFFF  }
0xb0: {  	[dreg:$0x0] =	wrdreg $0x60  }
0xb1: {  	[dreg:$0x2] =	wrdreg s24  }
0xb2: {  	[dreg:$0x3] =	wrdreg s2  }
0xb3: {  	[dreg:$0x4] =	wrdreg s18  }
0xb4: {  	[dreg:$0x5] =	wrdreg s4  }
0xb5: {  	[dreg:$0x6] =	wrdreg s5  }
0xb6: {  	[dreg:$0x7] =	wrdreg $0x9  }
0xb7: {  	_ =	task.clear_ibuf [dreg:s10], $0x8FFFF;
	_ =	strace $0x90000046  }
0xb8: {  	s29 =	simm.s32 $0x9;
	_ =	strace $0x80000048  }
0xb9: {  	_ =	swait.ge [sflag:s29], $0x1  }
0xba: {  	[sflag:s29] =	ssyncadd.s32 $0xFFFFFFFF  }
0xbb: {  	_ =	strace $0x90000048  }
0xbc: {  	_ =	sfence  }
0xbd: {  	s30 =	sld [smem:$0x0];
	_ =	sdelay $0x2  }
0xbe: {  	s31 =	sshll.u32 s1, $0xD;
	s1 =	sshrl.u32 s1, $0x2  }
0xbf: {  	s3 =	sand.u32 $0x4000, s31;
	s1 =	sadd.s32 s1, s30  }
0xc0: {  	s0 =	sor.u32 s3, s0;
	s1 =	sshll.u32 s1, $0x11  }
0xc1: {  	s0 =	sor.u32 s1, s0  }
0xc2: {  	s0 =	sadd.s32 $0x8F2B, s0  }
0xc3: {  	[sflag:s0] =	ssyncadd.remote.s32 $0x1  }
0xc4: {  	_ =	sfence.sel $0xFFFF  }
0xc5: {  	[dreg:$0x0] =	wrdreg $0xFFFFFFFF;
	(pc) =	sbr.abs _section_cstart, $3  }
0xc6: {  	[dreg:$0x1] =	wrdreg $0xFFFFFFFF  }
0xc7: {  	_ =	task.clear_ibuf [dreg:s10], $0x2FFFF;
	_ =	strace $0x9FFFFFFF  }
0xc8: {  	(tm) =	ssettm $0x7FFFFFFF  }
0xc9: {  	_ =	shalt  }
tec
execute0_lowered:
.L_overlay_start_1:
0x0: {  	(tag) =	ssettag $0x1  }
0x1: {  	s0 =	rddreg [dreg:$0x0]  }
0x2: {  	s1 =	rddreg [dreg:$0x1]  }
0x3: {  	s2 =	rddreg [dreg:$0x2]  }
0x4: {  	s3 =	rddreg [dreg:$0x3]  }
0x5: {  	s4 =	rddreg [dreg:$0x4];
	s5 =	srdreg.scid;
	s6 =	simm.s32 $0x0  }
0x6: {  	s9 =	stileid.u32;
	s11 =	simm.s32 $0x2;
	s12 =	simm.s32 $0x16B00  }
0x7: {  	s13 =	simm.s32 $0x80;
	s14 =	simm.s32 $0x280;
	s15 =	simm.s32 $0xA80  }
0x8: {  	s16 =	simm.s32 $0x100;
	s17 =	simm.s32 $0x1280;
	s18 =	simm.s32 $0x180  }
0x9: {  	s19 =	simm.s32 $0x1A80;
	s20 =	simm.s32 $0x200;
	s21 =	simm.s32 $0x2280  }
0xa: {  	s22 =	simm.s32 $0x1;
	s23 =	simm.s32 $0x2A80;
	s5 =	sand.u32 $0x1, s5  }
0xb: {  	s24 =	simm.s32 $0x0;
	[smem:$0x7FF] =	sst s6;
	s7 =	ssub.s32 $0x2, s5  }
0xc: {  	s9 =	sshll.u32 s9, $0x1;
	_ =	strace $0x80000047;
	s8 =	sshrl.u32 s7, $0x1  }
0xd: {  	s5 =	sor.u32 s5, s9;
	s10 =	ssub.s32 s7, s8;
	s7 =	sadd.s32 $0xF42800, s0  }
0xe: {  	s8 =	smul.u32 $0x1900, s5;
	s9 =	smax.u32 s10, $0x1;
	s10 =	simm.s32 $0x16A80  }
.LBB2_1:
0xf: {  	[tilespmem:s10], [sflag:$0x2] =	stream.linear.gather [hbm4b:s2+s6], $0x80, $0x38;
	[tilespmem:$0x16B80] =	vst v63  }
0x10: {  	_ =	swait.ge [sflag:s11], $0x80  }
0x11: {  	[sflag:s11] =	ssyncset.done $0x0  }
0x12: {  	[sflag:s11] =	ssyncadd.s32 $0xFFFFFF80  }
0x13: {  	[tilespmem:s12], [sflag:$0x2] =	stream.linear.gather [hbm4b:s3+s6], $0x80, $0x38;
	[tilespmem:$0x16B80] =	vst v63  }
0x14: {  	_ =	swait.ge [sflag:s11], $0x80  }
0x15: {  	[sflag:s11] =	ssyncset.done $0x0  }
0x16: {  	[sflag:s11] =	ssyncadd.s32 $0xFFFFFF80  }
0x17: {  	v6 =	vld [tilespmem:$0x16A80]  }
0x18: {  	v7 =	vld [tilespmem:$0x16A90]  }
0x19: {  	v9 =	vld [tilespmem:$0x16AA0]  }
0x1a: {  	v10 =	vld [tilespmem:$0x16AB0]  }
0x1b: {  	v11 =	vld [tilespmem:$0x16AC0]  }
0x1c: {  	v13 =	vld [tilespmem:$0x16AD0]  }
0x1d: {  	v14 =	vld [tilespmem:$0x16AE0]  }
0x1e: {  	v15 =	vld [tilespmem:$0x16AF0]  }
0x1f: {  	v0 =	vld [tilespmem:$0x16B00]  }
0x20: {  	v1 =	vld [tilespmem:$0x16B10]  }
0x21: {  	v2 =	vld [tilespmem:$0x16B20]  }
0x22: {  	v3 =	vld [tilespmem:$0x16B30]  }
0x23: {  	v4 =	vld [tilespmem:$0x16B40]  }
0x24: {  	v5 =	vld [tilespmem:$0x16B50];
	v6 =	vand.u32 $0xF, v6;
	v7 =	vand.u32 $0xF, v7  }
0x25: {  	v12 =	vld [tilespmem:$0x16B70];
	v9 =	vand.u32 $0xF, v9;
	v10 =	vand.u32 $0xF, v10;
	v11 =	vand.u32 $0xF, v11  }
0x26: {  	s25 =	simm.s32 $0x0;
	v8 =	vld [tilespmem:$0x16B60];
	v13 =	vand.u32 $0xF, v13;
	v14 =	vand.u32 $0xF, v14;
	v15 =	vand.u32 $0xF, v15  }
.LBB2_2:
0x27: {  	s0 =	smul.u32 $0x280, s25;
	_ =	sdelay $0x1  }
0x28: {  	s26 =	sadd.s32 s8, s0  }
0x29: {  	s0 =	sshrl.u32 s26, $0x3  }
0x2a: {  	s0 =	sadd.s32 s1, s0  }
0x2b: {  	[tilespmem:s6], [sflag:$0x2] =	stream.linear.gather [hbm4b:s0+s6], $0x280, $0x38;
	[tilespmem:$0x16B80] =	vst v63  }
0x2c: {  	_ =	swait.ge [sflag:s11], $0x280  }
0x2d: {  	[sflag:s11] =	ssyncset.done $0x0  }
0x2e: {  	[sflag:s11] =	ssyncadd.s32 $0xFFFFFD80  }
0x2f: {  	[tilespmem:s14], [sflag:$0x1] =	stream.indirect.gather [hbm4b:s7+s13], $0x10, s6, s13, $0xb8;
	[tilespmem:$0x16B80] =	vst v63  }
0x30: {  	_ = 	snop  }
0x31: {  	[tilespmem:s15], [sflag:$0x1] =	stream.indirect.gather [hbm4b:s7+s13], $0x10, s13, s13, $0xb8;
	[tilespmem:$0x16B80] =	vst v63  }
0x32: {  	_ = 	snop  }
0x33: {  	[tilespmem:s17], [sflag:$0x1] =	stream.indirect.gather [hbm4b:s7+s13], $0x10, s16, s13, $0xb8;
	[tilespmem:$0x16B80] =	vst v63  }
0x34: {  	_ = 	snop  }
0x35: {  	[tilespmem:s19], [sflag:$0x1] =	stream.indirect.gather [hbm4b:s7+s13], $0x10, s18, s13, $0xb8;
	[tilespmem:$0x16B80] =	vst v63  }
0x36: {  	_ = 	snop  }
0x37: {  	[tilespmem:s21], [sflag:$0x1] =	stream.indirect.gather [hbm4b:s7+s13], $0x10, s20, s13, $0xb8;
	[tilespmem:$0x16B80] =	vst v63  }
0x38: {  	_ =	swait.ge [sflag:s22], $0x800  }
0x39: {  	[sflag:s22] =	ssyncset.done $0x0  }
0x3a: {  	[sflag:s22] =	ssyncadd.s32 $0xFFFFF800  }
0x3b: {  	_ =	swait.ge [sflag:s22], $0x800  }
0x3c: {  	[sflag:s22] =	ssyncset.done $0x0  }
0x3d: {  	[sflag:s22] =	ssyncadd.s32 $0xFFFFF800  }
0x3e: {  	_ =	swait.ge [sflag:s22], $0x800  }
0x3f: {  	[sflag:s22] =	ssyncset.done $0x0  }
0x40: {  	[sflag:s22] =	ssyncadd.s32 $0xFFFFF800  }
0x41: {  	_ =	swait.ge [sflag:s22], $0x800  }
0x42: {  	[sflag:s22] =	ssyncset.done $0x0  }
0x43: {  	[sflag:s22] =	ssyncadd.s32 $0xFFFFF800  }
0x44: {  	_ =	swait.ge [sflag:s22], $0x800  }
0x45: {  	[sflag:s22] =	ssyncset.done $0x0  }
0x46: {  	s5 =	simm.s32 $0x290;
	[sflag:s22] =	ssyncadd.s32 $0xFFFFF800  }
0x47: {  	v16 =	vld [tilespmem:s5+$0xFFFFFFF0];
	_ =	sdelay $0x4  }
0x48: {  	v17 =	vperm.xlane v16, v14  }
0x49: {  	v18 =	vperm.xlane v16, v13  }
0x4a: {  	v19 =	vperm.xlane v16, v9;
	v17 =	vmul.f32 v17, v8  }
0x4b: {  	s29 =	simm.s32 $0x2B00;
	v20 =	vperm.xlane v16, v15;
	v18 =	vmul.f32 v18, v5  }
0x4c: {  	v21 =	vperm.xlane v16, v10;
	v19 =	vmul.f32 v19, v2;
	[tilespmem:s29+$0xFFFFFFE0] =	vst v17  }
0x4d: {  	v17 =	vperm.xlane v16, v11;
	[tilespmem:s29+$0xFFFFFFD0] =	vst v18;
	v18 =	vmul.f32 v20, v12  }
0x4e: {  	v20 =	vperm.xlane v16, v7;
	[tilespmem:s29+$0xFFFFFFA0] =	vst v19;
	v19 =	vmul.f32 v21, v3  }
0x4f: {  	v16 =	vperm.xlane v16, v6;
	v17 =	vmul.f32 v17, v4;
	[tilespmem:s29+$0xFFFFFFF0] =	vst v18  }
0x50: {  	v18 =	vmul.f32 v20, v1;
	[tilespmem:s29+$0xFFFFFFB0] =	vst v19  }
0x51: {  	v16 =	vmul.f32 v16, v0;
	[tilespmem:s29+$0xFFFFFFC0] =	vst v17  }
0x52: {  	[tilespmem:s29+$0xFFFFFF90] =	vst v18  }
0x53: {  	[tilespmem:s29+$0xFFFFFF80] =	vst v16  }
0x54: {  	v17 =	vld [tilespmem:s5+$0x0];
	_ =	sdelay $0x4  }
0x55: {  	v18 =	vperm.xlane v17, v6;
	v20 =	vperm.xlane v17, v7  }
0x56: {  	s31 =	simm.s32 $0x2;
	s28 =	simm.s32 $0x2C00;
	v19 =	vperm.xlane v17, v9;
	v16 =	vperm.xlane v17, v10  }
0x57: {  	s30 =	simm.s32 $0x2B0;
	s0 =	simm.s32 $0x2B0;
	s5 =	simm.s32 $0x2C00;
	v21 =	vperm.xlane v17, v11;
	v20 =	vmul.f32 v20, v1  }
.LBB2_3:
0x58: {  	s31 =	sadd.s32 $0x2, s31;
	s0 =	sadd.s32 $0x20, s0;
	s5 =	sadd.s32 $0x100, s5;
	v19 =	vmul.f32 v19, v2;
	v22 =	vperm.xlane v17, v13  }
0x59: {  	p0 =	slt.u32 s31, $0x27E;
	[tilespmem:s29+$0x10] =	vst v20;
	v20 =	vmul.f32 v21, v4;
	v21 =	vperm.xlane v17, v15  }
0x5a: {  	v17 =	vperm.xlane v17, v14;
	[tilespmem:s29+$0x20] =	vst v19;
	v19 =	vmul.f32 v22, v5  }
0x5b: {  	v18 =	vmul.f32 v18, v0;
	[tilespmem:s29+$0x40] =	vst v20;
	v20 =	vmul.f32 v21, v12  }
0x5c: {  	v17 =	vmul.f32 v17, v8;
	[tilespmem:s29+$0x50] =	vst v19  }
0x5d: {  	[tilespmem:s29+$0x70] =	vst v20  }
0x5e: {  	v16 =	vmul.f32 v16, v3;
	[tilespmem:s29+$0x0] =	vst v18  }
0x5f: {  	[tilespmem:s29+$0x60] =	vst v17  }
0x60: {  	[tilespmem:s29+$0x30] =	vst v16;
	s29 =	smov.u32 s28;
	s28 =	smov.u32 s5  }
0x61: {  	v16 =	vld [tilespmem:s30+$0xFFFFFFF0];
	_ =	sdelay $0x4  }
0x62: {  	v17 =	vperm.xlane v16, v6;
	v18 =	vperm.xlane v16, v14  }
0x63: {  	v19 =	vperm.xlane v16, v9;
	v20 =	vperm.xlane v16, v13  }
0x64: {  	v17 =	vmul.f32 v17, v0;
	v18 =	vmul.f32 v18, v8  }
0x65: {  	v21 =	vperm.xlane v16, v15;
	v20 =	vmul.f32 v20, v5  }
0x66: {  	v22 =	vperm.xlane v16, v10;
	v19 =	vmul.f32 v19, v2;
	[tilespmem:s29+$0xFFFFFFE0] =	vst v18  }
0x67: {  	v18 =	vperm.xlane v16, v11;
	[tilespmem:s29+$0xFFFFFFD0] =	vst v20;
	v20 =	vmul.f32 v21, v12  }
0x68: {  	v16 =	vperm.xlane v16, v7;
	[tilespmem:s29+$0xFFFFFFA0] =	vst v19;
	v19 =	vmul.f32 v22, v3  }
0x69: {  	v18 =	vmul.f32 v18, v4;
	[tilespmem:s29+$0xFFFFFFF0] =	vst v20  }
0x6a: {  	v16 =	vmul.f32 v16, v1;
	[tilespmem:s29+$0xFFFFFFB0] =	vst v19  }
0x6b: {  	[tilespmem:s29+$0xFFFFFFC0] =	vst v18  }
0x6c: {  	[tilespmem:s29+$0xFFFFFF90] =	vst v16  }
0x6d: {  	[tilespmem:s29+$0xFFFFFF80] =	vst v17  }
0x6e: {  	v17 =	vld [tilespmem:s30+$0x0];
	s30 =	smov.u32 s0;
	_ =	sdelay $0x2  }
.Ltmp0:
0x6f: {  	(pc) =	sbr.rel @p0 .LBB2_3-.Ltmp0, $4  }
0x70: {  	_ = 	snop  }
0x71: {  	v18 =	vperm.xlane v17, v6;
	v20 =	vperm.xlane v17, v7  }
0x72: {  	v19 =	vperm.xlane v17, v9;
	v16 =	vperm.xlane v17, v10  }
0x73: {  	v21 =	vperm.xlane v17, v11;
	v20 =	vmul.f32 v20, v1  }
0x74: {  	v19 =	vmul.f32 v19, v2  }
0x75: {  	v18 =	vmul.f32 v18, v0;
	[tilespmem:s29+$0x10] =	vst v20  }
0x76: {  	v22 =	vperm.xlane v17, v13;
	v16 =	vmul.f32 v16, v3;
	[tilespmem:s29+$0x20] =	vst v19  }
0x77: {  	v44 =	vperm.xlane v17, v15;
	v43 =	vmul.f32 v21, v4;
	[tilespmem:s29+$0x0] =	vst v18  }
0x78: {  	v17 =	vperm.xlane v17, v14;
	v45 =	vmul.f32 v22, v5;
	[tilespmem:s29+$0x30] =	vst v16  }
0x79: {  	v46 =	vmul.f32 v44, v12;
	[tilespmem:s29+$0x40] =	vst v43  }
0x7a: {  	v17 =	vmul.f32 v17, v8;
	[tilespmem:s29+$0x50] =	vst v45  }
0x7b: {  	[tilespmem:s29+$0x70] =	vst v46  }
0x7c: {  	[tilespmem:s29+$0x60] =	vst v17  }
0x7d: {  	v16 =	vld [tilespmem:s30+$0xFFFFFFF0];
	_ =	sdelay $0x4  }
0x7e: {  	v17 =	vperm.xlane v16, v14  }
0x7f: {  	v47 =	vperm.xlane v16, v13  }
0x80: {  	v48 =	vperm.xlane v16, v9;
	v17 =	vmul.f32 v17, v8  }
0x81: {  	v49 =	vperm.xlane v16, v15;
	v18 =	vmul.f32 v47, v5  }
0x82: {  	v50 =	vperm.xlane v16, v10;
	v19 =	vmul.f32 v48, v2;
	[tilespmem:s28+$0xFFFFFFE0] =	vst v17  }
0x83: {  	v52 =	vperm.xlane v16, v7;
	v51 =	vmul.f32 v49, v12;
	[tilespmem:s28+$0xFFFFFFD0] =	vst v18  }
0x84: {  	v53 =	vmul.f32 v50, v3;
	v17 =	vperm.xlane v16, v11;
	[tilespmem:s28+$0xFFFFFFA0] =	vst v19  }
0x85: {  	v54 =	vmul.f32 v52, v1;
	v16 =	vperm.xlane v16, v6;
	[tilespmem:s28+$0xFFFFFFF0] =	vst v51  }
0x86: {  	[tilespmem:s28+$0xFFFFFFB0] =	vst v53;
	v17 =	vmul.f32 v17, v4  }
0x87: {  	[tilespmem:s28+$0xFFFFFF90] =	vst v54;
	v16 =	vmul.f32 v16, v0  }
0x88: {  	[tilespmem:s28+$0xFFFFFFC0] =	vst v17  }
0x89: {  	[tilespmem:s28+$0xFFFFFF80] =	vst v16  }
0x8a: {  	v16 =	vld [tilespmem:s30+$0x0];
	_ =	sdelay $0x4  }
0x8b: {  	v17 =	vperm.xlane v16, v7  }
0x8c: {  	v55 =	vperm.xlane v16, v9;
	v56 =	vperm.xlane v16, v11  }
0x8d: {  	v57 =	vperm.xlane v16, v13;
	v17 =	vmul.f32 v17, v1  }
0x8e: {  	v59 =	vperm.xlane v16, v6;
	v18 =	vmul.f32 v55, v2  }
0x8f: {  	v61 =	vperm.xlane v16, v14;
	v60 =	vmul.f32 v57, v5;
	[tilespmem:s28+$0x10] =	vst v17  }
0x90: {  	v58 =	vperm.xlane v16, v15;
	v62 =	vmul.f32 v59, v0;
	[tilespmem:s28+$0x20] =	vst v18  }
0x91: {  	v16 =	vperm.xlane v16, v10;
	v63 =	vmul.f32 v61, v8;
	[tilespmem:s28+$0x50] =	vst v60  }
0x92: {  	v17 =	vmul.f32 v56, v4;
	[tilespmem:s28+$0x0] =	vst v62  }
0x93: {  	v16 =	vmul.f32 v16, v3;
	[tilespmem:s28+$0x60] =	vst v63  }
0x94: {  	s25 =	sadd.s32 $0x1, s25;
	[tilespmem:s28+$0x40] =	vst v17;
	v17 =	vmul.f32 v58, v12  }
0x95: {  	s0 =	sshll.u32 s26, $0x4;
	p0 =	sne.s32 s25, $0xA;
	[tilespmem:s28+$0x30] =	vst v16  }
.Ltmp1:
0x96: {  	s0 =	sadd.s32 s4, s0;
	[tilespmem:s28+$0x70] =	vst v17;
	(pc) =	sbr.rel @p0 .LBB2_2-.Ltmp1, $4  }
0x97: {  	[hbm4b:s0+s6] =	stream.linear.scatter [tilespmem:s23], [sflag:$0x2], $0x14000, $0x38;
	[tilespmem:$0x16B80] =	vst v63  }
0x98: {  	_ =	swait.ge [sflag:s11], $0x14000  }
0x99: {  	[sflag:s11] =	ssyncset.done $0x0  }
0x9a: {  	[sflag:s11] =	ssyncadd.s32 $0xFFFEC000  }
0x9b: {  	s24 =	sadd.s32 $0x1, s24  }
0x9c: {  	p0 =	sne.s32 s24, s9  }
.Ltmp2:
0x9d: {  	_ = 	snop;
	(pc) =	sbr.rel @p0 .LBB2_1-.Ltmp2, $1  }
0x9e: {  	_ =	sdelay $0x3  }
0x9f: {  	_ =	sfence.sel $0x180000  }
0xa0: {  	[bflag:$0x0] =	sbarrier.arrive $0xFFFF  }
0xa1: {  	_ =	strace $0x90000047  }
0xa2: {  	s0 =	stileid.u32;
	[bflag:$0x2] =	sbarrier.arrive $0xFFFF  }
0xa3: {  	p0 =	sne.s32 s0, $0x0;
	s0 =	rddreg [dreg:$0x5]  }
0xa4: {  	s0 =	sadd.s32 @!p0 $0x100000, s0  }
0xa5: {  	[sflag:s0] =	ssyncadd.tile.s32 @!p0 $0x1;
	_ =	shalt  }
.Lfunc_end2:
_tile_overlayer_lowered:
.L_overlay_start_2:
0xa6: {  	(tag) =	ssettag $0x2  }
0xa7: {  	s0 =	rddreg [dreg:$0x0];
	s2 =	stileid.u32  }
0xa8: {  	s1 =	rddreg [dreg:$0x1];
	p0 =	sne.s32 s2, $0x0  }
0xa9: {  	s3 =	rddreg [dreg:$0x2];
	[bflag:$0x3] =	sbarrier.arrive $0xFFFF;
	s2 =	simm.s32 @!p0 $0x1C02  }
0xaa: {  	[timem:s3], [sflag:s2] =	dma.local @!p0 [hbm:s0], s1  }
0xab: {  	s0 =	simm.s32 @!p0 $0x2  }
0xac: {  	_ =	swait.ge @!p0 [sflag:s0], s1  }
0xad: {  	s1 =	ssub.s32 @!p0 $0x0, s1;
	[sflag:s0] =	ssyncset.done @!p0 $0x0  }
0xae: {  	[sflag:s0] =	ssyncadd.s32 @!p0 s1  }
0xaf: {  	[bflag:$0x3] =	sbarrier.arrive $0xFFFF  }
0xb0: {  	_ =	shalt  }

</sc_bundles>
